<compile_context>
chip_gen: v7x
topology: tpu7x:2x2x1
jax: 0.10.2.dev20260603
libtpu: 0.0.44.dev20260713+nightly
codegen_flags: <defaults>
</compile_context>

<pallas_src>
import functools

import jax
import jax.numpy as jnp
from jax import lax
from jax.experimental import pallas as pl
from jax.experimental.pallas import tpu as pltpu
from jax.experimental.pallas import tpu_sc as plsc


def _make_proj(n, d, c):
    def _proj_kernel(x_ref, wlt_ref, wrt_ref, b_ref, yp_ref, zt_ref):
        x = x_ref[...]
        wt = jnp.concatenate([wlt_ref[...], wrt_ref[...]], axis=0)
        dn = (((1,), (1,)), ((), ()))
        r = lax.dot_general(wt, x, dn, preferred_element_type=jnp.float32)
        u = lax.bitcast_convert_type(r[0:c].astype(jnp.bfloat16), jnp.uint16)
        u32 = u.astype(jnp.uint32)
        yp_ref[...] = lax.bitcast_convert_type(
            (u32[0:1] << 16) | u32[1:2], jnp.int32
        )
        zt_ref[...] = r[c : 2 * c] + b_ref[...].T

    return _proj_kernel


@functools.cache
def _make_segsum(n, e, c, nw, nc, epw):
    mesh = plsc.VectorSubcoreMesh(core_axis_name="c", subcore_axis_name="s")
    epw_pad = -(-(epw + 112) // 128) * 128

    @functools.partial(
        pl.kernel,
        mesh=mesh,
        compiler_params=pltpu.CompilerParams(needs_layout_passes=False),
        out_type=tuple(
            jax.ShapeDtypeStruct((nw, n), jnp.float32) for _ in range(c + 1)
        ),
        scratch_types=[
            pltpu.VMEM((2, epw_pad), jnp.int32),
            pltpu.VMEM((1, n), jnp.int32),
        ]
        + [pltpu.VMEM((n,), jnp.float32) for _ in range(c + 1)]
        + [pltpu.SemaphoreType.DMA, pltpu.SemaphoreType.DMA],
    )
    def seg(ei_hbm, y_hbm, *rest):
        out_hbm = rest[: c + 1]
        ei_v, y_v = rest[c + 1 : c + 3]
        acc_v = rest[c + 3 : c + 4 + c]
        sem_e, sem_y = rest[c + 4 + c :]

        wid = lax.axis_index("s") * nc + lax.axis_index("c")
        base = wid * epw
        ab = pl.multiple_of((base // 128) * 128, 128)
        off = base - ab
        h_e = pltpu.async_copy(
            ei_hbm.at[pl.ds(0, 2), pl.ds(ab, epw_pad)], ei_v, sem_e
        )
        h_y = pltpu.async_copy(y_hbm, y_v, sem_y)

        zf = jnp.zeros((16,), jnp.float32)

        @plsc.parallel_loop(0, n // 16, unroll=4)
        def _zero(i):
            for a in acc_v:
                a[pl.ds(i * 16, 16)] = zf

        h_e.wait()
        h_y.wait()

        ones = jnp.full((16,), 1.0, jnp.float32)
        row0 = jnp.zeros((16,), jnp.int32)
        himask = jnp.full((16,), -65536, jnp.int32)

        @plsc.parallel_loop(0, epw // 16, unroll=8)
        def _body(i):
            b0 = pl.multiple_of(off + i * 16, 16)
            s = ei_v[0, pl.ds(b0, 16)]
            d = ei_v[1, pl.ds(b0, 16)]
            p = plsc.load_gather(y_v, [row0, s])
            y0 = plsc.bitcast(p & himask, jnp.float32)
            y1 = plsc.bitcast(p << 16, jnp.float32)
            plsc.addupdate_scatter(acc_v[0], [d], y0)
            plsc.addupdate_scatter(acc_v[1], [d], y1)
            plsc.addupdate_scatter(acc_v[c], [d], ones)

        hs = [
            pltpu.async_copy(a, o.at[wid], sem_e if k % 2 else sem_y)
            for k, (a, o) in enumerate(zip(acc_v, out_hbm))
        ]
        for h in hs:
            h.wait()

    return seg


def _make_final(n, c):
    def _final_kernel(ps0_ref, ps1_ref, pc_ref, zt_ref, ls_ref, out_ref):
        cnt = jnp.maximum(jnp.sum(pc_ref[...], axis=0, keepdims=True), 1.0)
        o0 = jnp.sum(ps0_ref[...], axis=0, keepdims=True) / cnt + zt_ref[0:1]
        o1 = jnp.sum(ps1_ref[...], axis=0, keepdims=True) / cnt + zt_ref[1:2]
        m = jnp.maximum(o0, o1)
        lse = m + jnp.log(jnp.exp(o0 - m) + jnp.exp(o1 - m))
        ls_ref[0:1] = o0 - lse
        ls_ref[1:2] = o1 - lse
        out_ref[0:1] = o0
        out_ref[1:2] = o1

    return _final_kernel


def kernel(x, edge_index, W_l, W_r, b):
    n, d = x.shape
    e = edge_index.shape[1]
    c = W_l.shape[1]

    yt, zt = pl.pallas_call(
        _make_proj(n, d, c),
        out_shape=(
            jax.ShapeDtypeStruct((1, n), jnp.int32),
            jax.ShapeDtypeStruct((c, n), jnp.float32),
        ),
    )(x, W_l.T, W_r.T, b.reshape(1, c))

    nc, ns = 2, 16
    nw = nc * ns
    epw = e // nw
    seg = _make_segsum(n, e, c, nw, nc, epw)
    ps0, ps1, pcnt = seg(edge_index, yt)

    ls_t, out_t = pl.pallas_call(
        _make_final(n, c),
        out_shape=(
            jax.ShapeDtypeStruct((c, n), jnp.float32),
            jax.ShapeDtypeStruct((c, n), jnp.float32),
        ),
    )(ps0, ps1, pcnt, zt)

    return (ls_t.T, out_t.T)

# --- scband reference (transcript-rebuilt; emitter-appended) ---
"""Pipeline reference for scband-graph-sage-1967095021810 (READ-ONLY COPY).

The authoritative reference and input builder live on the scoring server;
editing this copy changes nothing except your own understanding.
"""

import jax, jax.numpy as jnp
import numpy as np

N = 10000
E = 320000
D = 128
C = 2


def setup_inputs(seed: int = 0) -> dict:
    key = jax.random.key(seed)
    k1, k2, k3, k4 = jax.random.split(key, 4)
    x = jax.random.normal(k1, (N, D), dtype=jnp.float32)
    edge_index = jax.random.randint(k2, (2, E), 0, N, dtype=jnp.int32)
    scale = 1.0 / np.sqrt(D)
    # SAGEConv('mean') params: lin_l applied to aggregated neighbors, lin_r to root, single bias
    W_l = (jax.random.normal(k3, (D, C), dtype=jnp.float32) * scale)
    W_r = (jax.random.normal(k4, (D, C), dtype=jnp.float32) * scale)
    b = jnp.zeros((C,), dtype=jnp.float32)
    return {"x": x, "edge_index": edge_index, "W_l": W_l, "W_r": W_r, "b": b}


def reference(x, edge_index, W_l, W_r, b):
    src = edge_index[0]
    dst = edge_index[1]
    n = x.shape[0]
    # gather source-node features along each edge
    msgs = jnp.take(x, src, axis=0)
    # mean aggregation at destination nodes (scatter-add + count)
    agg_sum = jax.ops.segment_sum(msgs, dst, num_segments=n)
    cnt = jax.ops.segment_sum(jnp.ones((src.shape[0],), dtype=x.dtype), dst, num_segments=n)
    agg = agg_sum / jnp.clip(cnt, 1.0, None)[:, None]
    # SAGEConv: out = lin_l(agg) + lin_r(x_root) + bias
    out = agg @ W_l + x @ W_r + b
    # feature_type == 'discrete' branch: return (log_softmax(out), out)
    return (jax.nn.log_softmax(out, axis=1), out)

if __name__ == "__main__":
    import jax
    _d = setup_inputs()
    print(jax.jit(kernel)(*tuple(_d.values())))

</pallas_src>

<mosaic_0001>
#map = affine_map<(d0, d1) -> (0, 0)>
module attributes {stable_mosaic.version = 14 : i64} {
  func.func @seg(%arg0: i32, %arg1: i32, %arg2: memref<2x320000xi32, #tpu.memory_space<hbm>>, %arg3: memref<1x10000xi32, #tpu.memory_space<hbm>>, %arg4: memref<32x10000xf32, #tpu.memory_space<hbm>>, %arg5: memref<32x10000xf32, #tpu.memory_space<hbm>>, %arg6: memref<32x10000xf32, #tpu.memory_space<hbm>>, %arg7: memref<2x10112xi32, #tpu.memory_space<vmem>>, %arg8: memref<1x10000xi32, #tpu.memory_space<vmem>>, %arg9: memref<10000xf32, #tpu.memory_space<vmem>>, %arg10: memref<10000xf32, #tpu.memory_space<vmem>>, %arg11: memref<10000xf32, #tpu.memory_space<vmem>>, %arg12: memref<!tpu.dma_semaphore, #tpu.memory_space<semaphore_mem>>, %arg13: memref<!tpu.dma_semaphore, #tpu.memory_space<semaphore_mem>>) attributes {dimension_semantics = [#tpu.dimension_semantics<core_parallel>, #tpu.dimension_semantics<subcore_parallel>], iteration_bounds = array<i64: 2, 16>, scalar_prefetch = 0 : i64, scratch_operands = 7 : i64, tpu.core_type = #tpu.core_type<sc_vector_subcore>, window_params = [{transform_indices = #map}, {transform_indices = #map}, {transform_indices = #map}, {transform_indices = #map}, {transform_indices = #map}]} {
    %mul3A = arith.constant 2 : i32
    %mul3A_0 = arith.muli %arg1, %mul3A : i32
    %add3A = arith.addi %mul3A_0, %arg0 : i32
    %mul3A_1 = arith.constant 10000 : i32
    %mul3A_2 = arith.muli %add3A, %mul3A_1 : i32
    %jit3A = arith.constant 128 : i32
    %div3A = arith.divsi %mul3A_2, %jit3A : i32
    %sign3A = arith.constant 0 : i32
    %sign3A_3 = arith.cmpi sgt, %mul3A_2, %sign3A : i32
    %sign3A_4 = arith.extui %sign3A_3 : i1 to i32
    %sign3A_5 = arith.constant 0 : i32
    %sign3A_6 = arith.cmpi slt, %mul3A_2, %sign3A_5 : i32
    %sign3A_7 = arith.extui %sign3A_6 : i1 to i32
    %sign3A_8 = arith.subi %sign3A_4, %sign3A_7 : i32
    %sign3A_9 = arith.constant 0 : i32
    %sign3A_10 = arith.cmpi sgt, %jit3A, %sign3A_9 : i32
    %sign3A_11 = arith.extui %sign3A_10 : i1 to i32
    %sign3A_12 = arith.constant 0 : i32
    %sign3A_13 = arith.cmpi slt, %jit3A, %sign3A_12 : i32
    %sign3A_14 = arith.extui %sign3A_13 : i1 to i32
    %sign3A_15 = arith.subi %sign3A_11, %sign3A_14 : i32
    %ne3A = arith.cmpi ne, %sign3A_8, %sign3A_15 : i32
    %rem3A = arith.remsi %mul3A_2, %jit3A : i32
    %ne3A_16 = arith.constant 0 : i32
    %ne3A_17 = arith.cmpi ne, %rem3A, %ne3A_16 : i32
    %and3A = arith.andi %ne3A, %ne3A_17 : i1
    %sub3A = arith.constant 1 : i32
    %sub3A_18 = arith.subi %div3A, %sub3A : i32
    %select_n3A = arith.select %and3A, %sub3A_18, %div3A : i32
    %mul3A_19 = arith.constant 128 : i32
    %mul3A_20 = arith.muli %select_n3A, %mul3A_19 : i32
    %multiple_of3A = tpu.assume_multiple %mul3A_20, 128 : i32
    %sub3A_21 = arith.subi %mul3A_2, %multiple_of3A : i32
    %dma_start3A = arith.constant 0 : i32
    %dma_start3A_22 = tpu.memref_slice %arg2[%dma_start3A, %multiple_of3A] : memref<2x320000xi32, #tpu.memory_space<hbm>> -> memref<2x10112xi32, #tpu.memory_space<hbm>>
    %dma_start3A_23 = arith.constant 0 : i32
    %dma_start3A_24 = tpu.memref_slice %arg2[%dma_start3A_23, %multiple_of3A] : memref<2x320000xi32, #tpu.memory_space<hbm>> -> memref<2x10112xi32, #tpu.memory_space<hbm>>
    tpu.enqueue_dma source(%dma_start3A_24 : memref<2x10112xi32, #tpu.memory_space<hbm>>) target(%arg7 : memref<2x10112xi32, #tpu.memory_space<vmem>>) target_semaphore(%arg12 : memref<!tpu.dma_semaphore, #tpu.memory_space<semaphore_mem>>)
    tpu.enqueue_dma source(%arg3 : memref<1x10000xi32, #tpu.memory_space<hbm>>) target(%arg8 : memref<1x10000xi32, #tpu.memory_space<vmem>>) target_semaphore(%arg13 : memref<!tpu.dma_semaphore, #tpu.memory_space<semaphore_mem>>)
    %broadcast_in_dim3A = arith.constant 0.000000e+00 : f32
    %broadcast_in_dim3A_25 = vector.broadcast %broadcast_in_dim3A : f32 to vector<16xf32>
    %parallel_loop3A = arith.constant 0 : i32
    %parallel_loop3A_26 = arith.constant 625 : i32
    %parallel_loop3A_27 = arith.constant 1 : i32
    scf.for %parallel_loop3A_76 = %parallel_loop3A to %parallel_loop3A_26 step %parallel_loop3A_27  : i32 {
      %parallel_loop3A_77 = arith.constant 16 : i32
      %parallel_loop3A_78 = arith.muli %parallel_loop3A_76, %parallel_loop3A_77 : i32
      %parallel_loop3A_79 = arith.index_cast %parallel_loop3A_78 : i32 to index
      %parallel_loop3A_80 = tpu.vector_load %arg9[%parallel_loop3A_79] {strides = array<i32>} : memref<10000xf32, #tpu.memory_space<vmem>>, vector<16xf32>,
      tpu.vector_store %arg9[%parallel_loop3A_79], %broadcast_in_dim3A_25 {strides = array<i32>} : memref<10000xf32, #tpu.memory_space<vmem>>, vector<16xf32>,
      %parallel_loop3A_81 = arith.constant 16 : i32
      %parallel_loop3A_82 = arith.muli %parallel_loop3A_76, %parallel_loop3A_81 : i32
      %parallel_loop3A_83 = arith.index_cast %parallel_loop3A_82 : i32 to index
      %parallel_loop3A_84 = tpu.vector_load %arg10[%parallel_loop3A_83] {strides = array<i32>} : memref<10000xf32, #tpu.memory_space<vmem>>, vector<16xf32>,
      tpu.vector_store %arg10[%parallel_loop3A_83], %broadcast_in_dim3A_25 {strides = array<i32>} : memref<10000xf32, #tpu.memory_space<vmem>>, vector<16xf32>,
      %parallel_loop3A_85 = arith.constant 16 : i32
      %parallel_loop3A_86 = arith.muli %parallel_loop3A_76, %parallel_loop3A_85 : i32
      %parallel_loop3A_87 = arith.index_cast %parallel_loop3A_86 : i32 to index
      %parallel_loop3A_88 = tpu.vector_load %arg11[%parallel_loop3A_87] {strides = array<i32>} : memref<10000xf32, #tpu.memory_space<vmem>>, vector<16xf32>,
      tpu.vector_store %arg11[%parallel_loop3A_87], %broadcast_in_dim3A_25 {strides = array<i32>} : memref<10000xf32, #tpu.memory_space<vmem>>, vector<16xf32>,
    } {sc.loop_unroll_factor = 4 : i64, sc.parallel_access}
    %dma_wait3A = arith.constant 0 : i32
    %dma_wait3A_28 = tpu.memref_slice %arg2[%dma_wait3A, %multiple_of3A] : memref<2x320000xi32, #tpu.memory_space<hbm>> -> memref<2x10112xi32, #tpu.memory_space<hbm>>
    %dma_wait3A_29 = arith.constant 0 : i32
    %dma_wait3A_30 = tpu.memref_slice %arg2[%dma_wait3A_29, %multiple_of3A] : memref<2x320000xi32, #tpu.memory_space<hbm>> -> memref<2x10112xi32, #tpu.memory_space<hbm>>
    tpu.wait_dma2 semaphore(%arg12 : memref<!tpu.dma_semaphore, #tpu.memory_space<semaphore_mem>>) src(%dma_wait3A_30 : memref<2x10112xi32, #tpu.memory_space<hbm>>) dst(%arg7 : memref<2x10112xi32, #tpu.memory_space<vmem>>)
    tpu.wait_dma2 semaphore(%arg13 : memref<!tpu.dma_semaphore, #tpu.memory_space<semaphore_mem>>) src(%arg3 : memref<1x10000xi32, #tpu.memory_space<hbm>>) dst(%arg8 : memref<1x10000xi32, #tpu.memory_space<vmem>>)
    %broadcast_in_dim3A_31 = arith.constant 1.000000e+00 : f32
    %broadcast_in_dim3A_32 = vector.broadcast %broadcast_in_dim3A_31 : f32 to vector<16xf32>
    %broadcast_in_dim3A_33 = arith.constant 0 : i32
    %broadcast_in_dim3A_34 = vector.broadcast %broadcast_in_dim3A_33 : i32 to vector<16xi32>
    %broadcast_in_dim3A_35 = arith.constant -65536 : i32
    %broadcast_in_dim3A_36 = vector.broadcast %broadcast_in_dim3A_35 : i32 to vector<16xi32>
    %parallel_loop3A_37 = arith.constant 0 : i32
    %parallel_loop3A_38 = arith.constant 625 : i32
    %parallel_loop3A_39 = arith.constant 1 : i32
    scf.for %parallel_loop3A_76 = %parallel_loop3A_37 to %parallel_loop3A_38 step %parallel_loop3A_39  : i32 {
      %parallel_loop3A_77 = arith.constant 16 : i32
      %parallel_loop3A_78 = arith.muli %parallel_loop3A_76, %parallel_loop3A_77 : i32
      %parallel_loop3A_79 = arith.addi %sub3A_21, %parallel_loop3A_78 : i32
      %parallel_loop3A_80 = tpu.assume_multiple %parallel_loop3A_79, 16 : i32
      %parallel_loop3A_81 = arith.constant 0 : i32
      %parallel_loop3A_82 = arith.index_cast %parallel_loop3A_81 : i32 to index
      %parallel_loop3A_83 = arith.index_cast %parallel_loop3A_80 : i32 to index
      %parallel_loop3A_84 = tpu.vector_load %arg7[%parallel_loop3A_82, %parallel_loop3A_83] {strides = array<i32>} : memref<2x10112xi32, #tpu.memory_space<vmem>>, vector<16xi32>,
      %parallel_loop3A_85 = arith.constant 1 : i32
      %parallel_loop3A_86 = arith.index_cast %parallel_loop3A_85 : i32 to index
      %parallel_loop3A_87 = arith.index_cast %parallel_loop3A_80 : i32 to index
      %parallel_loop3A_88 = tpu.vector_load %arg7[%parallel_loop3A_86, %parallel_loop3A_87] {strides = array<i32>} : memref<2x10112xi32, #tpu.memory_space<vmem>>, vector<16xi32>,
      %parallel_loop3A_89 = tpu.vector_load_idx %arg8[%broadcast_in_dim3A_34, %parallel_loop3A_84] : memref<1x10000xi32, #tpu.memory_space<vmem>>[vector<16xi32>, vector<16xi32>], vector<16xi32>,
      %parallel_loop3A_90 = arith.andi %parallel_loop3A_89, %broadcast_in_dim3A_36 : vector<16xi32>
      %parallel_loop3A_91 = vector.bitcast %parallel_loop3A_90 : vector<16xi32> to vector<16xf32>
      %parallel_loop3A_92 = arith.constant 16 : i32
      %parallel_loop3A_93 = vector.broadcast %parallel_loop3A_92 : i32 to vector<16xi32>
      %parallel_loop3A_94 = arith.shli %parallel_loop3A_89, %parallel_loop3A_93 : vector<16xi32>
      %parallel_loop3A_95 = vector.bitcast %parallel_loop3A_94 : vector<16xi32> to vector<16xf32>
      tpu.vector_store_idx %arg9[%parallel_loop3A_88], %parallel_loop3A_91 {add = true} : memref<10000xf32, #tpu.memory_space<vmem>>[vector<16xi32>], vector<16xf32>,
      tpu.vector_store_idx %arg10[%parallel_loop3A_88], %parallel_loop3A_95 {add = true} : memref<10000xf32, #tpu.memory_space<vmem>>[vector<16xi32>], vector<16xf32>,
      tpu.vector_store_idx %arg11[%parallel_loop3A_88], %broadcast_in_dim3A_32 {add = true} : memref<10000xf32, #tpu.memory_space<vmem>>[vector<16xi32>], vector<16xf32>,
    } {sc.loop_unroll_factor = 8 : i64, sc.parallel_access}
    %dma_start3A_40 = arith.constant 0 : i32
    %dma_start3A_41 = tpu.memref_slice %arg4[%add3A, %dma_start3A_40] : memref<32x10000xf32, #tpu.memory_space<hbm>> -> memref<1x10000xf32, #tpu.memory_space<hbm>>
    %dma_start3A_42 = tpu.memref_squeeze %dma_start3A_41 : memref<1x10000xf32, #tpu.memory_space<hbm>> -> memref<10000xf32, #tpu.memory_space<hbm>>
    %dma_start3A_43 = arith.constant 0 : i32
    %dma_start3A_44 = tpu.memref_slice %arg4[%add3A, %dma_start3A_43] : memref<32x10000xf32, #tpu.memory_space<hbm>> -> memref<1x10000xf32, #tpu.memory_space<hbm>>
    %dma_start3A_45 = tpu.memref_squeeze %dma_start3A_44 : memref<1x10000xf32, #tpu.memory_space<hbm>> -> memref<10000xf32, #tpu.memory_space<hbm>>
    tpu.enqueue_dma source(%arg9 : memref<10000xf32, #tpu.memory_space<vmem>>) target(%dma_start3A_45 : memref<10000xf32, #tpu.memory_space<hbm>>) target_semaphore(%arg13 : memref<!tpu.dma_semaphore, #tpu.memory_space<semaphore_mem>>)
    %dma_start3A_46 = arith.constant 0 : i32
    %dma_start3A_47 = tpu.memref_slice %arg5[%add3A, %dma_start3A_46] : memref<32x10000xf32, #tpu.memory_space<hbm>> -> memref<1x10000xf32, #tpu.memory_space<hbm>>
    %dma_start3A_48 = tpu.memref_squeeze %dma_start3A_47 : memref<1x10000xf32, #tpu.memory_space<hbm>> -> memref<10000xf32, #tpu.memory_space<hbm>>
    %dma_start3A_49 = arith.constant 0 : i32
    %dma_start3A_50 = tpu.memref_slice %arg5[%add3A, %dma_start3A_49] : memref<32x10000xf32, #tpu.memory_space<hbm>> -> memref<1x10000xf32, #tpu.memory_space<hbm>>
    %dma_start3A_51 = tpu.memref_squeeze %dma_start3A_50 : memref<1x10000xf32, #tpu.memory_space<hbm>> -> memref<10000xf32, #tpu.memory_space<hbm>>
    tpu.enqueue_dma source(%arg10 : memref<10000xf32, #tpu.memory_space<vmem>>) target(%dma_start3A_51 : memref<10000xf32, #tpu.memory_space<hbm>>) target_semaphore(%arg12 : memref<!tpu.dma_semaphore, #tpu.memory_space<semaphore_mem>>)
    %dma_start3A_52 = arith.constant 0 : i32
    %dma_start3A_53 = tpu.memref_slice %arg6[%add3A, %dma_start3A_52] : memref<32x10000xf32, #tpu.memory_space<hbm>> -> memref<1x10000xf32, #tpu.memory_space<hbm>>
    %dma_start3A_54 = tpu.memref_squeeze %dma_start3A_53 : memref<1x10000xf32, #tpu.memory_space<hbm>> -> memref<10000xf32, #tpu.memory_space<hbm>>
    %dma_start3A_55 = arith.constant 0 : i32
    %dma_start3A_56 = tpu.memref_slice %arg6[%add3A, %dma_start3A_55] : memref<32x10000xf32, #tpu.memory_space<hbm>> -> memref<1x10000xf32, #tpu.memory_space<hbm>>
    %dma_start3A_57 = tpu.memref_squeeze %dma_start3A_56 : memref<1x10000xf32, #tpu.memory_space<hbm>> -> memref<10000xf32, #tpu.memory_space<hbm>>
    tpu.enqueue_dma source(%arg11 : memref<10000xf32, #tpu.memory_space<vmem>>) target(%dma_start3A_57 : memref<10000xf32, #tpu.memory_space<hbm>>) target_semaphore(%arg13 : memref<!tpu.dma_semaphore, #tpu.memory_space<semaphore_mem>>)
    %dma_wait3A_58 = arith.constant 0 : i32
    %dma_wait3A_59 = tpu.memref_slice %arg4[%add3A, %dma_wait3A_58] : memref<32x10000xf32, #tpu.memory_space<hbm>> -> memref<1x10000xf32, #tpu.memory_space<hbm>>
    %dma_wait3A_60 = tpu.memref_squeeze %dma_wait3A_59 : memref<1x10000xf32, #tpu.memory_space<hbm>> -> memref<10000xf32, #tpu.memory_space<hbm>>
    %dma_wait3A_61 = arith.constant 0 : i32
    %dma_wait3A_62 = tpu.memref_slice %arg4[%add3A, %dma_wait3A_61] : memref<32x10000xf32, #tpu.memory_space<hbm>> -> memref<1x10000xf32, #tpu.memory_space<hbm>>
    %dma_wait3A_63 = tpu.memref_squeeze %dma_wait3A_62 : memref<1x10000xf32, #tpu.memory_space<hbm>> -> memref<10000xf32, #tpu.memory_space<hbm>>
    tpu.wait_dma2 semaphore(%arg13 : memref<!tpu.dma_semaphore, #tpu.memory_space<semaphore_mem>>) src(%arg9 : memref<10000xf32, #tpu.memory_space<vmem>>) dst(%dma_wait3A_63 : memref<10000xf32, #tpu.memory_space<hbm>>)
    %dma_wait3A_64 = arith.constant 0 : i32
    %dma_wait3A_65 = tpu.memref_slice %arg5[%add3A, %dma_wait3A_64] : memref<32x10000xf32, #tpu.memory_space<hbm>> -> memref<1x10000xf32, #tpu.memory_space<hbm>>
    %dma_wait3A_66 = tpu.memref_squeeze %dma_wait3A_65 : memref<1x10000xf32, #tpu.memory_space<hbm>> -> memref<10000xf32, #tpu.memory_space<hbm>>
    %dma_wait3A_67 = arith.constant 0 : i32
    %dma_wait3A_68 = tpu.memref_slice %arg5[%add3A, %dma_wait3A_67] : memref<32x10000xf32, #tpu.memory_space<hbm>> -> memref<1x10000xf32, #tpu.memory_space<hbm>>
    %dma_wait3A_69 = tpu.memref_squeeze %dma_wait3A_68 : memref<1x10000xf32, #tpu.memory_space<hbm>> -> memref<10000xf32, #tpu.memory_space<hbm>>
    tpu.wait_dma2 semaphore(%arg12 : memref<!tpu.dma_semaphore, #tpu.memory_space<semaphore_mem>>) src(%arg10 : memref<10000xf32, #tpu.memory_space<vmem>>) dst(%dma_wait3A_69 : memref<10000xf32, #tpu.memory_space<hbm>>)
    %dma_wait3A_70 = arith.constant 0 : i32
    %dma_wait3A_71 = tpu.memref_slice %arg6[%add3A, %dma_wait3A_70] : memref<32x10000xf32, #tpu.memory_space<hbm>> -> memref<1x10000xf32, #tpu.memory_space<hbm>>
    %dma_wait3A_72 = tpu.memref_squeeze %dma_wait3A_71 : memref<1x10000xf32, #tpu.memory_space<hbm>> -> memref<10000xf32, #tpu.memory_space<hbm>>
    %dma_wait3A_73 = arith.constant 0 : i32
    %dma_wait3A_74 = tpu.memref_slice %arg6[%add3A, %dma_wait3A_73] : memref<32x10000xf32, #tpu.memory_space<hbm>> -> memref<1x10000xf32, #tpu.memory_space<hbm>>
    %dma_wait3A_75 = tpu.memref_squeeze %dma_wait3A_74 : memref<1x10000xf32, #tpu.memory_space<hbm>> -> memref<10000xf32, #tpu.memory_space<hbm>>
    tpu.wait_dma2 semaphore(%arg13 : memref<!tpu.dma_semaphore, #tpu.memory_space<semaphore_mem>>) src(%arg11 : memref<10000xf32, #tpu.memory_space<vmem>>) dst(%dma_wait3A_75 : memref<10000xf32, #tpu.memory_space<hbm>>)
    return
  }
}

module attributes {stable_mosaic.version = 14 : i64} {
  func.func @_proj_kernel(%arg0: memref<10000x128xf32, #tpu.memory_space<vmem>>, %arg1: memref<2x128xf32, #tpu.memory_space<vmem>>, %arg2: memref<2x128xf32, #tpu.memory_space<vmem>>, %arg3: memref<1x2xf32, #tpu.memory_space<vmem>>, %arg4: memref<1x10000xi32, #tpu.memory_space<vmem>>, %arg5: memref<2x10000xf32, #tpu.memory_space<vmem>>) attributes {dimension_semantics = [], scalar_prefetch = 0 : i64, scratch_operands = 0 : i64, tpu.core_type = #tpu.core_type<tc>} {
    %get3A = arith.constant 0 : index
    %get3A_0 = arith.constant 0 : index
    %get3A_1 = vector.load %arg0[%get3A, %get3A_0] : memref<10000x128xf32, #tpu.memory_space<vmem>>, vector<10000x128xf32>
    %get3A_2 = arith.constant 0 : index
    %get3A_3 = arith.constant 0 : index
    %get3A_4 = vector.load %arg1[%get3A_2, %get3A_3] : memref<2x128xf32, #tpu.memory_space<vmem>>, vector<2x128xf32>
    %get3A_5 = arith.constant 0 : index
    %get3A_6 = arith.constant 0 : index
    %get3A_7 = vector.load %arg2[%get3A_5, %get3A_6] : memref<2x128xf32, #tpu.memory_space<vmem>>, vector<2x128xf32>
    %concatenate3A = tpu.concatenate %get3A_4, %get3A_7 in 0 : vector<2x128xf32>, vector<2x128xf32> -> vector<4x128xf32>
    %dot_general3A = arith.constant dense<0.000000e+00> : vector<4x10000xf32>
    %dot_general3A_8 = tpu.matmul %concatenate3A, %get3A_1, %dot_general3A {dimension_numbers = #tpu.dot_dimension_numbers<[1], [1], [0], [0], [0, 0, 1, 0], [], []>, transpose_lhs_hint = false} : vector<4x128xf32>, vector<10000x128xf32>, vector<4x10000xf32> -> vector<4x10000xf32>
    %slice3A = vector.extract_strided_slice %dot_general3A_8 {offsets = [0, 0], sizes = [2, 10000], strides = [1, 1]} : vector<4x10000xf32> to vector<2x10000xf32>
    %convert_element_type3A = arith.truncf %slice3A : vector<2x10000xf32> to vector<2x10000xbf16>
    %bitcast_convert_type3A = tpu.bitcast %convert_element_type3A : vector<2x10000xbf16> -> vector<2x10000xi16>
    %convert_element_type3A_9 = arith.extui %bitcast_convert_type3A : vector<2x10000xi16> to vector<2x10000xi32>
    %slice3A_10 = vector.extract_strided_slice %convert_element_type3A_9 {offsets = [0, 0], sizes = [1, 10000], strides = [1, 1]} : vector<2x10000xi32> to vector<1x10000xi32>
    %shift_left3A = arith.constant 16 : i32
    %shift_left3A_11 = vector.broadcast %shift_left3A : i32 to vector<1x10000xi32>
    %shift_left3A_12 = arith.shli %slice3A_10, %shift_left3A_11 : vector<1x10000xi32>
    %slice3A_13 = vector.extract_strided_slice %convert_element_type3A_9 {offsets = [1, 0], sizes = [1, 10000], strides = [1, 1]} : vector<2x10000xi32> to vector<1x10000xi32>
    %or3A = arith.ori %shift_left3A_12, %slice3A_13 : vector<1x10000xi32>
    %bitcast_convert_type3A_14 = tpu.bitcast %or3A : vector<1x10000xi32> -> vector<1x10000xi32>
    %swap3A = arith.constant 0 : index
    %swap3A_15 = arith.constant 0 : index
    %swap3A_16 = vector.load %arg4[%swap3A, %swap3A_15] : memref<1x10000xi32, #tpu.memory_space<vmem>>, vector<1x10000xi32>
    tpu.vector_store %arg4[%swap3A, %swap3A_15], %bitcast_convert_type3A_14 {strides = array<i32>} : memref<1x10000xi32, #tpu.memory_space<vmem>>, vector<1x10000xi32>,
    %slice3A_17 = vector.extract_strided_slice %dot_general3A_8 {offsets = [2, 0], sizes = [2, 10000], strides = [1, 1]} : vector<4x10000xf32> to vector<2x10000xf32>
    %get3A_18 = arith.constant 0 : index
    %get3A_19 = arith.constant 0 : index
    %get3A_20 = vector.load %arg3[%get3A_18, %get3A_19] : memref<1x2xf32, #tpu.memory_space<vmem>>, vector<1x2xf32>
    %transpose3A = tpu.transpose %get3A_20, [1, 0] : vector<1x2xf32> -> vector<2x1xf32>
    %add3A = vector.broadcast %transpose3A : vector<2x1xf32> to vector<2x10000xf32>
    %add3A_21 = arith.addf %slice3A_17, %add3A : vector<2x10000xf32>
    %swap3A_22 = arith.constant 0 : index
    %swap3A_23 = arith.constant 0 : index
    %swap3A_24 = vector.load %arg5[%swap3A_22, %swap3A_23] : memref<2x10000xf32, #tpu.memory_space<vmem>>, vector<2x10000xf32>
    tpu.vector_store %arg5[%swap3A_22, %swap3A_23], %add3A_21 {strides = array<i32>} : memref<2x10000xf32, #tpu.memory_space<vmem>>, vector<2x10000xf32>,
    return
  }
}

module attributes {stable_mosaic.version = 14 : i64} {
  func.func @_final_kernel(%arg0: memref<32x10000xf32, #tpu.memory_space<vmem>>, %arg1: memref<32x10000xf32, #tpu.memory_space<vmem>>, %arg2: memref<32x10000xf32, #tpu.memory_space<vmem>>, %arg3: memref<2x10000xf32, #tpu.memory_space<vmem>>, %arg4: memref<2x10000xf32, #tpu.memory_space<vmem>>, %arg5: memref<2x10000xf32, #tpu.memory_space<vmem>>) attributes {dimension_semantics = [], scalar_prefetch = 0 : i64, scratch_operands = 0 : i64, tpu.core_type = #tpu.core_type<tc>} {
    %get3A = arith.constant 0 : index
    %get3A_0 = arith.constant 0 : index
    %get3A_1 = vector.load %arg2[%get3A, %get3A_0] : memref<32x10000xf32, #tpu.memory_space<vmem>>, vector<32x10000xf32>
    %reduce_sum3A = arith.constant dense<0.000000e+00> : vector<10000xf32>
    %reduce_sum3A_2 = vector.multi_reduction <add>, %get3A_1, %reduce_sum3A [0] : vector<32x10000xf32> to vector<10000xf32>
    %broadcast_in_dim3A = vector.shape_cast %reduce_sum3A_2 : vector<10000xf32> to vector<1x10000xf32>
    %max3A = arith.constant 1.000000e+00 : f32
    %max3A_3 = vector.broadcast %max3A : f32 to vector<1x10000xf32>
    %max3A_4 = arith.maximumf %broadcast_in_dim3A, %max3A_3 : vector<1x10000xf32>
    %get3A_5 = arith.constant 0 : index
    %get3A_6 = arith.constant 0 : index
    %get3A_7 = vector.load %arg0[%get3A_5, %get3A_6] : memref<32x10000xf32, #tpu.memory_space<vmem>>, vector<32x10000xf32>
    %reduce_sum3A_8 = arith.constant dense<0.000000e+00> : vector<10000xf32>
    %reduce_sum3A_9 = vector.multi_reduction <add>, %get3A_7, %reduce_sum3A_8 [0] : vector<32x10000xf32> to vector<10000xf32>
    %broadcast_in_dim3A_10 = vector.shape_cast %reduce_sum3A_9 : vector<10000xf32> to vector<1x10000xf32>
    %div3A = arith.divf %broadcast_in_dim3A_10, %max3A_4 : vector<1x10000xf32>
    %get3A_11 = arith.constant 0 : index
    %get3A_12 = arith.constant 0 : index
    %get3A_13 = vector.load %arg3[%get3A_11, %get3A_12] : memref<2x10000xf32, #tpu.memory_space<vmem>>, vector<1x10000xf32>
    %add3A = arith.addf %div3A, %get3A_13 : vector<1x10000xf32>
    %get3A_14 = arith.constant 0 : index
    %get3A_15 = arith.constant 0 : index
    %get3A_16 = vector.load %arg1[%get3A_14, %get3A_15] : memref<32x10000xf32, #tpu.memory_space<vmem>>, vector<32x10000xf32>
    %reduce_sum3A_17 = arith.constant dense<0.000000e+00> : vector<10000xf32>
    %reduce_sum3A_18 = vector.multi_reduction <add>, %get3A_16, %reduce_sum3A_17 [0] : vector<32x10000xf32> to vector<10000xf32>
    %broadcast_in_dim3A_19 = vector.shape_cast %reduce_sum3A_18 : vector<10000xf32> to vector<1x10000xf32>
    %div3A_20 = arith.divf %broadcast_in_dim3A_19, %max3A_4 : vector<1x10000xf32>
    %get3A_21 = arith.constant 1 : index
    %get3A_22 = arith.constant 0 : index
    %get3A_23 = vector.load %arg3[%get3A_21, %get3A_22] : memref<2x10000xf32, #tpu.memory_space<vmem>>, vector<1x10000xf32>
    %add3A_24 = arith.addf %div3A_20, %get3A_23 : vector<1x10000xf32>
    %max3A_25 = arith.maximumf %add3A, %add3A_24 : vector<1x10000xf32>
    %sub3A = arith.subf %add3A, %max3A_25 : vector<1x10000xf32>
    %exp3A = math.exp %sub3A : vector<1x10000xf32>
    %sub3A_26 = arith.subf %add3A_24, %max3A_25 : vector<1x10000xf32>
    %exp3A_27 = math.exp %sub3A_26 : vector<1x10000xf32>
    %add3A_28 = arith.addf %exp3A, %exp3A_27 : vector<1x10000xf32>
    %log3A = math.log %add3A_28 : vector<1x10000xf32>
    %add3A_29 = arith.addf %max3A_25, %log3A : vector<1x10000xf32>
    %sub3A_30 = arith.subf %add3A, %add3A_29 : vector<1x10000xf32>
    %swap3A = arith.constant 0 : index
    %swap3A_31 = arith.constant 0 : index
    %swap3A_32 = vector.load %arg4[%swap3A, %swap3A_31] : memref<2x10000xf32, #tpu.memory_space<vmem>>, vector<1x10000xf32>
    tpu.vector_store %arg4[%swap3A, %swap3A_31], %sub3A_30 {strides = array<i32>} : memref<2x10000xf32, #tpu.memory_space<vmem>>, vector<1x10000xf32>,
    %sub3A_33 = arith.subf %add3A_24, %add3A_29 : vector<1x10000xf32>
    %swap3A_34 = arith.constant 1 : index
    %swap3A_35 = arith.constant 0 : index
    %swap3A_36 = vector.load %arg4[%swap3A_34, %swap3A_35] : memref<2x10000xf32, #tpu.memory_space<vmem>>, vector<1x10000xf32>
    tpu.vector_store %arg4[%swap3A_34, %swap3A_35], %sub3A_33 {strides = array<i32>} : memref<2x10000xf32, #tpu.memory_space<vmem>>, vector<1x10000xf32>,
    %swap3A_37 = arith.constant 0 : index
    %swap3A_38 = arith.constant 0 : index
    %swap3A_39 = vector.load %arg5[%swap3A_37, %swap3A_38] : memref<2x10000xf32, #tpu.memory_space<vmem>>, vector<1x10000xf32>
    tpu.vector_store %arg5[%swap3A_37, %swap3A_38], %add3A {strides = array<i32>} : memref<2x10000xf32, #tpu.memory_space<vmem>>, vector<1x10000xf32>,
    %swap3A_40 = arith.constant 1 : index
    %swap3A_41 = arith.constant 0 : index
    %swap3A_42 = vector.load %arg5[%swap3A_40, %swap3A_41] : memref<2x10000xf32, #tpu.memory_space<vmem>>, vector<1x10000xf32>
    tpu.vector_store %arg5[%swap3A_40, %swap3A_41], %add3A_24 {strides = array<i32>} : memref<2x10000xf32, #tpu.memory_space<vmem>>, vector<1x10000xf32>,
    return
  }
}

</mosaic_0001>

<sc_bundles>
// kernel: kernel.5.cloned.1.call-start
scs
__scs_entry_jumppad:
0x0: {  	(pc) =	sbr.rel $0x88, $3  }
0x1: {  	(tag) =	ssettag $0x0;
	lr =	simm.s32 $0x1  }
0x2: {  	[smem:$0x3F9C] =	sst lr;
	_ =	strace $0xD0000000  }
0x3: {  	_ = 	snop  }
0x4: {  	_ = 	snop  }
0x5: {  	_ = 	snop  }
0x6: {  	_ = 	snop  }
0x7: {  	_ = 	snop  }
__scs_overlays_trampoline_lowered:
0x8: {  	[smem:$0x3FAB] =	sst s0  }
0x9: {  	[smem:$0x3FAC] =	sst s1  }
0xa: {  	[smem:$0x3FAD] =	sst s2  }
0xb: {  	[smem:$0x3FAE] =	sst s3  }
0xc: {  	[smem:$0x3FAF] =	sst s4  }
0xd: {  	[smem:$0x3FB0] =	sst s5  }
0xe: {  	[smem:$0x3FB1] =	sst s6  }
0xf: {  	[smem:$0x3FB2] =	sst s7  }
0x10: {  	[smem:$0x3FB3] =	sst s8  }
0x11: {  	[smem:$0x3FB4] =	sst s9;
	s0 =	simm.s32 @!p0 $0x0  }
0x12: {  	s1 =	sld [smem:$0x3F9A];
	s0 =	simm.s32 @p0 $0x1  }
0x13: {  	[smem:$0x3FB5] =	sst s0;
	s0 =	simm.s32 @!p1 $0x0  }
0x14: {  	s2 =	sld [smem:$0x3F99];
	s0 =	simm.s32 @p1 $0x1  }
0x15: {  	[smem:$0x3FB6] =	sst s0;
	s0 =	simm.s32 @!p2 $0x0  }
0x16: {  	s3 =	sld [smem:$0x3FDB];
	s0 =	simm.s32 @p2 $0x1  }
0x17: {  	s4 =	simm.s32 $0x1BF5;
	[smem:$0x3FB8] =	sst s0  }
0x18: {  	s0 =	sld [smem:$0x3F9B];
	_ =	swait.ge [sflag:s4], $0x0  }
0x19: {  	s7 =	sld [smem:$0x3F9C]  }
0x1a: {  	s8 =	sadd.s32 $0xFFFFE003, lr  }
0x1b: {  	s9 =	sadd.s32 $0xFFFFFEF7, lr;
	s5 =	simm.s32 $0xFFFFFFFF;
	p2 =	slt.u32 s8, $0xFFFFF086  }
0x1c: {  	p1 =	slt.u32 s9, $0xF7A;
	s5 =	simm.s32 @!p2 $0x0  }
0x1d: {  	s5 =	simm.s32 @p1 $0x1;
	p0 =	seq.s32 s7, s2  }
0x1e: {  	s7 =	smul.u32 @!p0 $0xF7A, s2;
	p2 =	seq.s32 @!p0 s5, $0x0  }
0x1f: {  	s9 =	smul.u32 $0xF7A, s1;
	s8 =	simm.s32 @!p0 $0x1BF5;
	p2 =	por !p2, p0  }
0x20: {  	[sflag:s8] =	ssyncset.s32 @!p0 $0xFFFFF086;
	s6 =	sadd.s32 @!p0 s3, s7;
	s7 =	simm.s32 @!p0 $0x108  }
0x21: {  	s3 =	sadd.s32 s3, s9;
	s6 =	sadd.s32 @!p0 $0x88, s6;
	s7 =	simm.s32 @p2 $0x1082  }
0x22: {  	[simem:s7], [sflag:s8] =	dma.local @!p0 [hbm:s6], $0xF7A  }
0x23: {  	s9 =	sor.u32 $0xD0000000, s2;
	s6 =	simm.s32 $0x108;
	_ =	swait.ge @!p0 [sflag:s8], $0x0  }
0x24: {  	s3 =	sadd.s32 $0x88, s3;
	s6 =	simm.s32 @!p1 $0x1082;
	[sflag:s4] =	ssyncset.s32 $0xFFFFF086  }
0x25: {  	[simem:s6], [sflag:s4] =	dma.local [hbm:s3], $0xF7A  }
0x26: {  	[smem:$0x3F9C] =	sst s1;
	(tag) =	ssettag s2;
	_ =	strace s9  }
0x27: {  	s1 =	sld [smem:$0x3FAC]  }
0x28: {  	s2 =	sld [smem:$0x3FAD]  }
0x29: {  	s4 =	sld [smem:$0x3FAF]  }
0x2a: {  	p0 =	seq.s32 s5, $0x0;
	s5 =	sld [smem:$0x3FB0]  }
0x2b: {  	s6 =	sld [smem:$0x3FB1]  }
0x2c: {  	s7 =	sld [smem:$0x3FB2]  }
0x2d: {  	s3 =	simm.s32 $0x108;
	s8 =	sld [smem:$0x3FB3]  }
0x2e: {  	s3 =	simm.s32 @!p0 $0x1082;
	s9 =	sld [smem:$0x3FB4]  }
0x2f: {  	lr =	sadd.s32 s0, s3;
	s0 =	sld [smem:$0x3FAB]  }
0x30: {  	s3 =	sld [smem:$0x3FAE]  }
0x31: {  	[smem:$0x3FB7] =	sst s10  }
0x32: {  	s10 =	sld [smem:$0x3FB5];
	_ =	sdelay $0x3  }
0x33: {  	p0 =	seq.s32 s10, $0x1;
	s10 =	sld [smem:$0x3FB7];
	_ =	sdelay $0x3  }
0x34: {  	[smem:$0x3FB7] =	sst s10  }
0x35: {  	s10 =	sld [smem:$0x3FB6];
	_ =	sdelay $0x3  }
0x36: {  	p1 =	seq.s32 s10, $0x1;
	s10 =	sld [smem:$0x3FB7];
	_ =	sdelay $0x3  }
0x37: {  	[smem:$0x3FB7] =	sst s10  }
0x38: {  	s10 =	sld [smem:$0x3FB8]  }
0x39: {  	_ = 	snop;
	(pc) =	sbr.ind lr, $3  }
0x3a: {  	_ = 	snop  }
0x3b: {  	_ = 	snop  }
0x3c: {  	p2 =	seq.s32 s10, $0x1;
	s10 =	sld [smem:$0x3FB7]  }
0x3d: {  	_ =	shalt  }
0x3e: {  	_ =	shalt  }
0x3f: {  	_ =	shalt  }
0x40: {  	_ =	shalt  }
0x41: {  	_ =	shalt  }
0x42: {  	_ =	shalt  }
0x43: {  	_ =	shalt  }
0x44: {  	_ =	shalt  }
0x45: {  	_ =	shalt  }
0x46: {  	_ =	shalt  }
0x47: {  	_ =	shalt  }
0x48: {  	_ =	shalt  }
0x49: {  	_ =	shalt  }
0x4a: {  	_ =	shalt  }
0x4b: {  	_ =	shalt  }
0x4c: {  	_ =	shalt  }
0x4d: {  	_ =	shalt  }
0x4e: {  	_ =	shalt  }
0x4f: {  	_ =	shalt  }
0x50: {  	_ =	shalt  }
0x51: {  	_ =	shalt  }
0x52: {  	_ =	shalt  }
0x53: {  	_ =	shalt  }
0x54: {  	_ =	shalt  }
0x55: {  	_ =	shalt  }
0x56: {  	_ =	shalt  }
0x57: {  	_ =	shalt  }
0x58: {  	_ =	shalt  }
0x59: {  	_ =	shalt  }
0x5a: {  	_ =	shalt  }
0x5b: {  	_ =	shalt  }
0x5c: {  	_ =	shalt  }
0x5d: {  	_ =	shalt  }
0x5e: {  	_ =	shalt  }
0x5f: {  	_ =	shalt  }
0x60: {  	_ =	shalt  }
0x61: {  	_ =	shalt  }
0x62: {  	_ =	shalt  }
0x63: {  	_ =	shalt  }
0x64: {  	_ =	shalt  }
0x65: {  	_ =	shalt  }
0x66: {  	_ =	shalt  }
0x67: {  	_ =	shalt  }
0x68: {  	_ =	shalt  }
0x69: {  	_ =	shalt  }
0x6a: {  	_ =	shalt  }
0x6b: {  	_ =	shalt  }
0x6c: {  	_ =	shalt  }
0x6d: {  	_ =	shalt  }
0x6e: {  	_ =	shalt  }
0x6f: {  	_ =	shalt  }
0x70: {  	_ =	shalt  }
0x71: {  	_ =	shalt  }
0x72: {  	_ =	shalt  }
0x73: {  	_ =	shalt  }
0x74: {  	_ =	shalt  }
0x75: {  	_ =	shalt  }
0x76: {  	_ =	shalt  }
0x77: {  	_ =	shalt  }
0x78: {  	_ =	shalt  }
0x79: {  	_ =	shalt  }
0x7a: {  	_ =	shalt  }
0x7b: {  	_ =	shalt  }
0x7c: {  	_ =	shalt  }
0x7d: {  	_ =	shalt  }
0x7e: {  	_ =	shalt  }
0x7f: {  	_ =	shalt  }
0x80: {  	_ =	shalt  }
0x81: {  	_ =	shalt  }
0x82: {  	_ =	shalt  }
0x83: {  	_ =	shalt  }
0x84: {  	_ =	shalt  }
0x85: {  	_ =	shalt  }
0x86: {  	_ =	shalt  }
0x87: {  	_ =	shalt  }
.Lfunc_end0:
.L_simem_size_0:
called_computation_lowered:
.L_overlay_start_0:
0x88: {  	s2 =	sld [smem:$0x3FD9]  }
0x89: {  	s3 =	sld [smem:$0x3FFE];
	_ =	sdelay $0x1  }
0x8a: {  	s1 =	srdreg.scid  }
0x8b: {  	s0 =	sand.u32 $0x1, s1  }
0x8c: {  	s14 =	sshll.u32 s0, $0xA;
	s2 =	sadd.s32 s3, s2  }
0x8d: {  	s2 =	sadd.s32 s2, s14  }
0x8e: {  	[smem:$0x3FC3] =	sst s2  }
0x8f: {  	_ = 	snop  }
0x90: {  	s2 =	sld [smem:$0x3FD0];
	_ =	sdelay $0x2  }
0x91: {  	s4 =	simm.s32 $0xA;
	s5 =	simm.s32 $0x10;
	s15 =	sld [smem:$0x3FC8]  }
0x92: {  	[smem:s5], [sflag:s4] =	dma.local [hbm:s2], $0x1  }
0x93: {  	_ =	swait.eq [sflag:s4], $0x1  }
0x94: {  	[sflag:s4] =	ssyncset.done $0x0  }
0x95: {  	[sflag:s4] =	ssyncadd.s32 $0xFFFFFFFF  }
0x96: {  	s16 =	sld [smem:$0x11];
	(tm) =	ssettm $0x1  }
0x97: {  	s17 =	sld [smem:$0x3FFB];
	_ =	sdelay $0x3  }
0x98: {  	_ =	strace s17  }
0x99: {  	s4 =	sld [smem:$0x3FFC];
	_ =	sdelay $0x3  }
0x9a: {  	_ =	strace s4  }
0x9b: {  	s4 =	sld [smem:$0x3FFD];
	_ =	sdelay $0x3  }
0x9c: {  	_ =	strace s4  }
0x9d: {  	_ =	strace $0x8FFFFFFF  }
0x9e: {  	s18 =	sld [smem:$0x3FDB];
	_ =	sdelay $0x1  }
0x9f: {  	s19 =	simm.s32 $_scs_section_size  }
0xa0: {  	s6 =	simm.s32 $_size__tile_overlayer_lowered;
	s7 =	simm.s32 $_tile_overlayer_lowered  }
0xa1: {  	s22 =	simm.s32 $0x1BFF;
	s21 =	sshll.u32 s7, $0x1;
	s4 =	sadd.s32 s19, s18  }
0xa2: {  	s8 =	simm.s32 $0x0;
	s20 =	sshll.u32 s6, $0x1;
	s6 =	sadd.s32 s21, s4  }
0xa3: {  	[timem:s8], [sflag:s22] =	dma.local [hbm:s6], s20  }
0xa4: {  	_ =	swait.ge [sflag:s22], s20  }
0xa5: {  	s5 =	ssub.s32 $0x0, s20;
	[sflag:s22] =	ssyncset.done $0x0  }
0xa6: {  	[sflag:s22] =	ssyncadd.s32 s5;
	_ =	sdelay $0x1  }
0xa7: {  	s23 =	simm.s32 $0x1B8B  }
0xa8: {  	_ =	swait.ge [sflag:s23], $0x1  }
0xa9: {  	[sflag:s23] =	ssyncset.done $0x0  }
0xaa: {  	s25 =	simm.s32 $0x1B8E;
	s24 =	sld [smem:$0x3FFE];
	[sflag:s23] =	ssyncadd.s32 $0xFFFFFFFF  }
0xab: {  	s26 =	simm.s32 $execute0_lowered;
	[smem:$0x3FD2] =	sst s25  }
0xac: {  	s6 =	sshll.u32 s26, $0x1;
	_ =	strace $0x80000046;
	[dreg:$0x1] =	wrdreg $0xFFFFFFFF  }
0xad: {  	s28 =	simm.s32 $_size_execute0_lowered;
	s4 =	sadd.s32 s4, s6;
	[dreg:$0x0] =	wrdreg $0x0  }
0xae: {  	s6 =	sshll.u32 s28, $0x1;
	[dreg:$0x2] =	wrdreg s4  }
0xaf: {  	[dreg:$0x3] =	wrdreg s6  }
0xb0: {  	[dreg:$0x4] =	wrdreg $0xC0  }
0xb1: {  	_ =	task [dreg:s8], $0x5FFFF  }
0xb2: {  	[dreg:$0x1] =	wrdreg $0xFFFFFFFF  }
0xb3: {  	[dreg:$0x0] =	wrdreg $0x60  }
0xb4: {  	[dreg:$0x2] =	wrdreg s15  }
0xb5: {  	[dreg:$0x3] =	wrdreg s16  }
0xb6: {  	[dreg:$0x4] =	wrdreg s24  }
0xb7: {  	[dreg:$0x5] =	wrdreg $0x9  }
0xb8: {  	_ =	task.clear_ibuf [dreg:s8], $0x6FFFF;
	_ =	strace $0x90000046  }
0xb9: {  	s29 =	simm.s32 $0x9;
	_ =	strace $0x80000048  }
0xba: {  	_ =	swait.ge [sflag:s29], $0x1  }
0xbb: {  	[sflag:s29] =	ssyncadd.s32 $0xFFFFFFFF  }
0xbc: {  	_ =	strace $0x90000048  }
0xbd: {  	_ =	sfence  }
0xbe: {  	s30 =	sld [smem:$0x0];
	_ =	sdelay $0x2  }
0xbf: {  	s31 =	sshll.u32 s1, $0xD;
	s1 =	sshrl.u32 s1, $0x2  }
0xc0: {  	s3 =	sand.u32 $0x4000, s31;
	s1 =	sadd.s32 s1, s30  }
0xc1: {  	s0 =	sor.u32 s3, s0;
	s1 =	sshll.u32 s1, $0x11  }
0xc2: {  	s0 =	sor.u32 s1, s0  }
0xc3: {  	s0 =	sadd.s32 $0x8F2B, s0  }
0xc4: {  	[sflag:s0] =	ssyncadd.remote.s32 $0x1  }
0xc5: {  	_ =	sfence.sel $0xFFFF  }
0xc6: {  	[dreg:$0x0] =	wrdreg $0xFFFFFFFF;
	(pc) =	sbr.abs _section_cstart, $3  }
0xc7: {  	[dreg:$0x1] =	wrdreg $0xFFFFFFFF  }
0xc8: {  	_ =	task.clear_ibuf [dreg:s8], $0x2FFFF;
	_ =	strace $0x9FFFFFFF  }
0xc9: {  	(tm) =	ssettm $0x7FFFFFFF  }
tec
execute0_lowered:
.L_overlay_start_1:
0x0: {  	(tag) =	ssettag $0x1  }
0x1: {  	s5 =	rddreg [dreg:$0x0]  }
0x2: {  	s1 =	srdreg.scid;
	s2 =	rddreg [dreg:$0x1]  }
0x3: {  	s0 =	stileid.u32;
	s6 =	rddreg [dreg:$0x2];
	s4 =	sand.u32 $0x1, s1  }
0x4: {  	s24 =	sshll.u32 s0, $0x1;
	s3 =	sshrl.u32 s0, $0x2;
	s25 =	smul.u32 $0x4E20, s0  }
0x5: {  	s1 =	rddreg [dreg:$0x3];
	s7 =	sor.u32 s4, s24;
	s8 =	smul.u32 $0x13C00, s3  }
0x6: {  	s3 =	simm.s32 $0x0;
	s10 =	ssub.s32 $0x2, s4;
	s4 =	smul.u32 $0x2710, s4  }
0x7: {  	s9 =	sshll.u32 s7, $0x7;
	s7 =	smul.u32 $0x2710, s7;
	[smem:$0x7FF] =	sst s3  }
0x8: {  	s26 =	sshrl.u32 s10, $0x1;
	s9 =	sand.u32 $0x380, s9;
	_ =	strace $0x80000047  }
0x9: {  	s10 =	ssub.s32 s10, s26;
	s8 =	sor.u32 s8, s9;
	s28 =	sshrl.u32 s7, $0x2  }
0xa: {  	s9 =	sadd.s32 s4, s25;
	s4 =	sand.u32 $0x70, s7;
	s8 =	sshrl.u32 s8, $0x3  }
0xb: {  	s11 =	sshrl.u32 s9, $0x4;
	s8 =	sadd.s32 s8, s6;
	s6 =	sand.u32 $0x1FFE0, s28  }
0xc: {  	s12 =	sand.u32 $0x7, s11;
	s9 =	sadd.s32 $0xFFFFFFFF, s11;
	s17 =	sadd.s32 $0x6, s11  }
0xd: {  	s18 =	sadd.s32 $0x1, s11;
	s20 =	sadd.s32 $0x5, s11;
	s22 =	sadd.s32 $0x4, s11  }
0xe: {  	s25 =	sadd.s32 $0x2, s11;
	s11 =	sadd.s32 $0x3, s11;
	s5 =	sadd.s32 s5, s6  }
0xf: {  	s6 =	sadd.s32 $0x1C00, s8;
	s7 =	sadd.s32 $0xBA00, s8;
	s13 =	sshll.u32 s12, $0x7  }
0x10: {  	s8 =	sadd.s32 $0x15800, s8;
	s15 =	sand.u32 $0x7, s9;
	s9 =	smax.u32 s10, $0x1  }
0x11: {  	s31 =	sshll.u32 s12, $0x6;
	s12 =	sand.u32 $0x7, s17;
	s24 =	sand.u32 $0x7, s22  }
0x12: {  	s28 =	sand.u32 $0x7, s25;
	s11 =	sand.u32 $0x7, s11;
	s14 =	sadd.s32 $0x3FC, s13  }
0x13: {  	s30 =	sshll.u32 s15, $0x6;
	s17 =	sadd.s32 $0x80, s13;
	s12 =	sshll.u32 s12, $0x6  }
0x14: {  	s21 =	sadd.s32 $0x280, s13;
	s23 =	sadd.s32 $0x200, s13;
	s26 =	sadd.s32 $0x100, s13  }
0x15: {  	s11 =	sshll.u32 s11, $0x6;
	s15 =	simm.s32 $0xC580;
	s29 =	sand.u32 $0x400, s14  }
0x16: {  	s14 =	sadd.s32 $0x300, s13;
	s17 =	sand.u32 $0x400, s17;
	s16 =	sor.u32 s30, s29  }
0x17: {  	s10 =	sand.u32 $0x400, s14;
	s14 =	sand.u32 $0x7, s18;
	s29 =	sadd.s32 $0x180, s13  }
0x18: {  	s13 =	simm.s32 $0x7680;
	s14 =	sshll.u32 s14, $0x6;
	s18 =	sor.u32 s12, s10  }
0x19: {  	s12 =	sand.u32 $0x7, s20;
	s10 =	sand.u32 $0x400, s21;
	s19 =	sor.u32 s14, s17  }
0x1a: {  	s30 =	sand.u32 $0x400, s29;
	s12 =	sshll.u32 s12, $0x6;
	s17 =	sor.u32 $0x200, s19  }
0x1b: {  	s19 =	sor.u32 s12, s10;
	s10 =	sand.u32 $0x400, s23;
	s12 =	sshll.u32 s24, $0x6  }
0x1c: {  	s20 =	sor.u32 s12, s10;
	s10 =	sand.u32 $0x400, s26;
	s12 =	sshll.u32 s28, $0x6  }
0x1d: {  	s23 =	sshrl.u32 s31, $0x2;
	s31 =	sshrl.u32 s16, $0x2;
	s10 =	sor.u32 s12, s10  }
0x1e: {  	s22 =	sor.u32 s11, s30;
	s17 =	sshrl.u32 s17, $0x2;
	v9 =	vmov s31;
	s21 =	sor.u32 $0x200, s10  }
0x1f: {  	s11 =	simm.s32 $0x1;
	s14 =	simm.s32 $0x9E00;
	v3 =	vmov s17;
	s21 =	sshrl.u32 s21, $0x2  }
0x20: {  	v0 =	vimm.f32 $0.0e+00;
	s18 =	sshrl.u32 s18, $0x2;
	s22 =	sshrl.u32 s22, $0x2;
	s16 =	simm.s32 $0x80;
	v4 =	vmov s21  }
0x21: {  	v1 =	vimm.f32 $1.000000000e+00;
	v8 =	vmov s18;
	s18 =	simm.s32 $0x0;
	s19 =	sshrl.u32 s19, $0x2;
	v5 =	vmov s22;
	s20 =	sshrl.u32 s20, $0x2  }
0x22: {  	v2 =	vmov s23;
	s12 =	simm.s32 $0x2;
	s17 =	simm.s32 $0x400;
	v7 =	vmov s19;
	s10 =	simm.s32 $0x4F00;
	v6 =	vmov s20  }
.LBB2_1:
0x23: {  	[tilespmem:s3], [sflag:$0x1] =	stream.linear.gather [hbm4b:s5+s3], $0x4F00, $0x38;
	[tilespmem:$0xED00] =	vst v63  }
0x24: {  	s21 =	simm.s32 $0x76A0  }
0x25: {  	[tilespmem:s10], [sflag:$0x2] =	stream.linear.gather [hbm4b:s2+s3], $0x2780, $0x38;
	[tilespmem:$0xED00] =	vst v63  }
0x26: {  	[tilespmem:s21+$0xFFFFFFF0] =	vst v0  }
0x27: {  	[tilespmem:s21+$0x0] =	vst v0  }
0x28: {  	[tilespmem:s21+$0x10] =	vst v0  }
0x29: {  	s19 =	simm.s32 $0x9E20;
	[tilespmem:s21+$0xFFFFFFE0] =	vst v0  }
0x2a: {  	[tilespmem:s19+$0xFFFFFFF0] =	vst v0  }
0x2b: {  	[tilespmem:s19+$0x0] =	vst v0  }
0x2c: {  	[tilespmem:s19+$0x10] =	vst v0  }
0x2d: {  	s20 =	simm.s32 $0xC5A0;
	[tilespmem:s19+$0xFFFFFFE0] =	vst v0  }
0x2e: {  	[tilespmem:s20+$0xFFFFFFF0] =	vst v0  }
0x2f: {  	[tilespmem:s20+$0x0] =	vst v0  }
0x30: {  	[tilespmem:s20+$0x10] =	vst v0  }
0x31: {  	s22 =	simm.s32 $0x76E0;
	s21 =	simm.s32 $0x0;
	[tilespmem:s20+$0xFFFFFFE0] =	vst v0  }
.LBB2_2:
0x32: {  	[tilespmem:s22+$0xFFFFFFF0] =	vst v0;
	s19 =	sadd.s32 $0x40, s19  }
0x33: {  	s20 =	sadd.s32 $0x40, s20;
	[tilespmem:s19+$0xFFFFFFF0] =	vst v0  }
0x34: {  	[tilespmem:s20+$0xFFFFFFF0] =	vst v0  }
0x35: {  	[tilespmem:s22+$0x0] =	vst v0  }
0x36: {  	[tilespmem:s19+$0x0] =	vst v0  }
0x37: {  	s21 =	sadd.s32 $0x4, s21;
	[tilespmem:s20+$0x0] =	vst v0  }
0x38: {  	p0 =	slt.u32 s21, $0x26C;
	[tilespmem:s22+$0x10] =	vst v0  }
.Ltmp0:
0x39: {  	[tilespmem:s19+$0x10] =	vst v0;
	(pc) =	sbr.rel @p0 .LBB2_2-.Ltmp0, $4  }
0x3a: {  	[tilespmem:s20+$0x10] =	vst v0  }
0x3b: {  	[tilespmem:s22+$0xFFFFFFE0] =	vst v0  }
0x3c: {  	[tilespmem:s19+$0xFFFFFFE0] =	vst v0  }
0x3d: {  	s22 =	sadd.s32 $0x40, s22;
	[tilespmem:s20+$0xFFFFFFE0] =	vst v0  }
0x3e: {  	[tilespmem:$0x9D80] =	vst v0  }
0x3f: {  	[tilespmem:$0xC500] =	vst v0  }
0x40: {  	[tilespmem:$0xEC80] =	vst v0  }
0x41: {  	_ =	swait.ge [sflag:s11], $0x4F00  }
0x42: {  	[sflag:s11] =	ssyncset.done $0x0  }
0x43: {  	[sflag:s11] =	ssyncadd.s32 $0xFFFFB100  }
0x44: {  	_ =	swait.ge [sflag:s12], $0x2780  }
0x45: {  	[sflag:s12] =	ssyncset.done $0x0  }
0x46: {  	s19 =	simm.s32 $0x0;
	[sflag:s12] =	ssyncadd.s32 $0xFFFFD880  }
0x47: {  	v10 =	vld.idx.msk [tilespmem:v9+s19+$0x0 ss:$0x1], $0xffff  }
0x48: {  	v11 =	vld.idx.msk [tilespmem:v3+s19+$0xFFFFFF80 ss:$0x1], $0xffff  }
0x49: {  	v12 =	vld.idx.msk [tilespmem:v4+s19+$0xFFFFFF80 ss:$0x1], $0xffff  }
0x4a: {  	v13 =	vld.idx.msk [tilespmem:v5+s19+$0x0 ss:$0x1], $0xffff  }
0x4b: {  	v14 =	vld.idx.msk [tilespmem:v6+s19+$0x0 ss:$0x1], $0xffff  }
0x4c: {  	v15 =	vld.idx.msk [tilespmem:v7+s19+$0x0 ss:$0x1], $0xffff  }
0x4d: {  	v16 =	vld.idx.msk [tilespmem:v8+s19+$0x0 ss:$0x1], $0xffff  }
0x4e: {  	v17 =	vld.idx.msk [tilespmem:v9+s19+$0x80 ss:$0x1], $0xffff  }
0x4f: {  	v18 =	vld.idx.msk [tilespmem:v2+s19+$0x0 ss:$0x1], $0xffff  }
0x50: {  	v57 =	vld.idx.msk [tilespmem:v2+s19+$0x80 ss:$0x1], $0xffff  }
0x51: {  	v58 =	vld.idx.msk [tilespmem:v3+s19+$0x0 ss:$0x1], $0xffff  }
0x52: {  	v20 =	vld.idx.msk [tilespmem:v4+s19+$0x0 ss:$0x1], $0xffff  }
0x53: {  	v21 =	vld.idx.msk [tilespmem:v5+s19+$0x80 ss:$0x1], $0xffff  }
0x54: {  	v22 =	vld.idx.msk [tilespmem:v6+s19+$0x80 ss:$0x1], $0xffff  }
0x55: {  	v23 =	vld.idx.msk [tilespmem:v7+s19+$0x80 ss:$0x1], $0xffff  }
0x56: {  	v10 =	vld.idx.msk [tilespmem:v10+s10+$0x0], $0xffff  }
0x57: {  	v11 =	vld.idx.msk [tilespmem:v11+s10+$0x0], $0xffff  }
0x58: {  	v12 =	vld.idx.msk [tilespmem:v12+s10+$0x0], $0xffff  }
0x59: {  	v56 =	vld.idx.msk [tilespmem:v18+s10+$0x0], $0xffff  }
0x5a: {  	v13 =	vld.idx.msk [tilespmem:v13+s10+$0x0], $0xffff  }
0x5b: {  	v14 =	vld.idx.msk [tilespmem:v14+s10+$0x0], $0xffff  }
0x5c: {  	v15 =	vld.idx.msk [tilespmem:v15+s10+$0x0], $0xffff  }
0x5d: {  	v16 =	vld.idx.msk [tilespmem:v16+s10+$0x0], $0xffff;
	v19 =	vand.u32 $0xFFFF0000, v10  }
0x5e: {  	v24 =	vand.u32 $0xFFFF0000, v56;
	[tilespmem:v17+s13+$0x0] =	vst.idx.add.f32.msk $0xffff, v19  }
0x5f: {  	v59 =	vand.u32 $0xFFFF0000, v11;
	[tilespmem:v57+s13+$0x0] =	vst.idx.add.f32.msk $0xffff, v24  }
0x60: {  	v10 =	vshll.u32 v10, $0x10;
	[tilespmem:v58+s13+$0x0] =	vst.idx.add.f32.msk $0xffff, v59  }
0x61: {  	[tilespmem:v17+s14+$0x0] =	vst.idx.add.f32.msk $0xffff, v10  }
0x62: {  	v11 =	vshll.u32 v11, $0x10;
	v10 =	vld.idx.msk [tilespmem:v8+s19+$0x80 ss:$0x1], $0xffff  }
0x63: {  	[tilespmem:v58+s14+$0x0] =	vst.idx.add.f32.msk $0xffff, v11  }
0x64: {  	[tilespmem:v17+s15+$0x0] =	vst.idx.add.f32.msk $0xffff, v1  }
0x65: {  	v11 =	vand.u32 $0xFFFF0000, v12;
	[tilespmem:v58+s15+$0x0] =	vst.idx.add.f32.msk $0xffff, v1  }
0x66: {  	v17 =	vshll.u32 v56, $0x10;
	[tilespmem:v20+s13+$0x0] =	vst.idx.add.f32.msk $0xffff, v11  }
0x67: {  	v12 =	vshll.u32 v12, $0x10;
	[tilespmem:v57+s14+$0x0] =	vst.idx.add.f32.msk $0xffff, v17  }
0x68: {  	v11 =	vand.u32 $0xFFFF0000, v13;
	[tilespmem:v20+s14+$0x0] =	vst.idx.add.f32.msk $0xffff, v12  }
0x69: {  	[tilespmem:v21+s13+$0x0] =	vst.idx.add.f32.msk $0xffff, v11  }
0x6a: {  	[tilespmem:v57+s15+$0x0] =	vst.idx.add.f32.msk $0xffff, v1  }
0x6b: {  	v60 =	vshll.u32 v13, $0x10;
	[tilespmem:v20+s15+$0x0] =	vst.idx.add.f32.msk $0xffff, v1  }
0x6c: {  	v11 =	vand.u32 $0xFFFF0000, v14;
	[tilespmem:v21+s14+$0x0] =	vst.idx.add.f32.msk $0xffff, v60  }
0x6d: {  	[tilespmem:v22+s13+$0x0] =	vst.idx.add.f32.msk $0xffff, v11  }
0x6e: {  	v61 =	vshll.u32 v14, $0x10;
	[tilespmem:v21+s15+$0x0] =	vst.idx.add.f32.msk $0xffff, v1  }
0x6f: {  	v11 =	vand.u32 $0xFFFF0000, v15;
	[tilespmem:v22+s14+$0x0] =	vst.idx.add.f32.msk $0xffff, v61  }
0x70: {  	[tilespmem:v23+s13+$0x0] =	vst.idx.add.f32.msk $0xffff, v11  }
0x71: {  	v62 =	vshll.u32 v15, $0x10;
	[tilespmem:v22+s15+$0x0] =	vst.idx.add.f32.msk $0xffff, v1  }
0x72: {  	[tilespmem:v23+s14+$0x0] =	vst.idx.add.f32.msk $0xffff, v62  }
0x73: {  	v11 =	vand.u32 $0xFFFF0000, v16;
	[tilespmem:v23+s15+$0x0] =	vst.idx.add.f32.msk $0xffff, v1  }
0x74: {  	v63 =	vshll.u32 v16, $0x10;
	[tilespmem:v10+s13+$0x0] =	vst.idx.add.f32.msk $0xffff, v11  }
0x75: {  	s20 =	simm.s32 $0x100;
	s19 =	simm.s32 $0x0;
	[tilespmem:v10+s14+$0x0] =	vst.idx.add.f32.msk $0xffff, v63  }
.LBB2_4:
0x76: {  	v11 =	vld.idx.msk [tilespmem:v9+s20+$0x0 ss:$0x1], $0xffff  }
0x77: {  	v12 =	vld.idx.msk [tilespmem:v3+s20+$0xFFFFFF80 ss:$0x1], $0xffff  }
0x78: {  	s19 =	sadd.s32 $0x8, s19;
	v13 =	vld.idx.msk [tilespmem:v4+s20+$0xFFFFFF80 ss:$0x1], $0xffff  }
0x79: {  	p0 =	slt.u32 s19, $0x268;
	v14 =	vld.idx.msk [tilespmem:v5+s20+$0x0 ss:$0x1], $0xffff  }
0x7a: {  	v15 =	vld.idx.msk [tilespmem:v6+s20+$0x0 ss:$0x1], $0xffff  }
0x7b: {  	v16 =	vld.idx.msk [tilespmem:v7+s20+$0x0 ss:$0x1], $0xffff  }
0x7c: {  	v17 =	vld.idx.msk [tilespmem:v8+s20+$0x0 ss:$0x1], $0xffff  }
0x7d: {  	v18 =	vld.idx.msk [tilespmem:v9+s20+$0x80 ss:$0x1], $0xffff  }
0x7e: {  	v11 =	vld.idx.msk [tilespmem:v11+s10+$0x0], $0xffff  }
0x7f: {  	v19 =	vld.idx.msk [tilespmem:v2+s20+$0x0 ss:$0x1], $0xffff  }
0x80: {  	v12 =	vld.idx.msk [tilespmem:v12+s10+$0x0], $0xffff  }
0x81: {  	v13 =	vld.idx.msk [tilespmem:v13+s10+$0x0], $0xffff  }
0x82: {  	v14 =	vld.idx.msk [tilespmem:v14+s10+$0x0], $0xffff  }
0x83: {  	v15 =	vld.idx.msk [tilespmem:v15+s10+$0x0], $0xffff  }
0x84: {  	v20 =	vand.u32 $0xFFFF0000, v11;
	v16 =	vld.idx.msk [tilespmem:v16+s10+$0x0], $0xffff  }
0x85: {  	v11 =	vshll.u32 v11, $0x10;
	[tilespmem:v18+s13+$0x0] =	vst.idx.add.f32.msk $0xffff, v20  }
0x86: {  	v20 =	vand.u32 $0xFFFF0000, v12;
	v12 =	vshll.u32 v12, $0x10;
	[tilespmem:v18+s14+$0x0] =	vst.idx.add.f32.msk $0xffff, v11  }
0x87: {  	v11 =	vand.u32 $0xFFFF0000, v13;
	v13 =	vshll.u32 v13, $0x10;
	[tilespmem:v18+s15+$0x0] =	vst.idx.add.f32.msk $0xffff, v1  }
0x88: {  	v18 =	vld.idx.msk [tilespmem:v19+s10+$0x0], $0xffff;
	v19 =	vand.u32 $0xFFFF0000, v14;
	v14 =	vshll.u32 v14, $0x10  }
0x89: {  	v21 =	vand.u32 $0xFFFF0000, v15;
	v15 =	vshll.u32 v15, $0x10;
	v17 =	vld.idx.msk [tilespmem:v17+s10+$0x0], $0xffff  }
0x8a: {  	v23 =	vand.u32 $0xFFFF0000, v16;
	v16 =	vshll.u32 v16, $0x10;
	v22 =	vld.idx.msk [tilespmem:v2+s20+$0x80 ss:$0x1], $0xffff  }
0x8b: {  	v24 =	vld.idx.msk [tilespmem:v3+s20+$0x0 ss:$0x1], $0xffff  }
0x8c: {  	v25 =	vld.idx.msk [tilespmem:v4+s20+$0x0 ss:$0x1], $0xffff  }
0x8d: {  	v26 =	vld.idx.msk [tilespmem:v5+s20+$0x80 ss:$0x1], $0xffff  }
0x8e: {  	v27 =	vand.u32 $0xFFFF0000, v18;
	v18 =	vshll.u32 v18, $0x10;
	v28 =	vld.idx.msk [tilespmem:v6+s20+$0x80 ss:$0x1], $0xffff  }
0x8f: {  	v30 =	vand.u32 $0xFFFF0000, v17;
	v17 =	vshll.u32 v17, $0x10;
	v29 =	vld.idx.msk [tilespmem:v7+s20+$0x80 ss:$0x1], $0xffff  }
0x90: {  	v31 =	vld.idx.msk [tilespmem:v8+s20+$0x80 ss:$0x1], $0xffff  }
0x91: {  	[tilespmem:v10+s15+$0x0] =	vst.idx.add.f32.msk $0xffff, v1  }
0x92: {  	[tilespmem:v22+s13+$0x0] =	vst.idx.add.f32.msk $0xffff, v27  }
0x93: {  	[tilespmem:v22+s14+$0x0] =	vst.idx.add.f32.msk $0xffff, v18  }
0x94: {  	[tilespmem:v22+s15+$0x0] =	vst.idx.add.f32.msk $0xffff, v1  }
0x95: {  	[tilespmem:v24+s13+$0x0] =	vst.idx.add.f32.msk $0xffff, v20;
	v10 =	vmov v31  }
0x96: {  	[tilespmem:v24+s14+$0x0] =	vst.idx.add.f32.msk $0xffff, v12  }
0x97: {  	[tilespmem:v24+s15+$0x0] =	vst.idx.add.f32.msk $0xffff, v1  }
0x98: {  	[tilespmem:v25+s13+$0x0] =	vst.idx.add.f32.msk $0xffff, v11  }
0x99: {  	[tilespmem:v25+s14+$0x0] =	vst.idx.add.f32.msk $0xffff, v13  }
0x9a: {  	[tilespmem:v25+s15+$0x0] =	vst.idx.add.f32.msk $0xffff, v1  }
0x9b: {  	[tilespmem:v26+s13+$0x0] =	vst.idx.add.f32.msk $0xffff, v19  }
0x9c: {  	[tilespmem:v26+s14+$0x0] =	vst.idx.add.f32.msk $0xffff, v14  }
0x9d: {  	[tilespmem:v26+s15+$0x0] =	vst.idx.add.f32.msk $0xffff, v1  }
0x9e: {  	[tilespmem:v28+s13+$0x0] =	vst.idx.add.f32.msk $0xffff, v21  }
0x9f: {  	[tilespmem:v28+s14+$0x0] =	vst.idx.add.f32.msk $0xffff, v15  }
0xa0: {  	[tilespmem:v28+s15+$0x0] =	vst.idx.add.f32.msk $0xffff, v1  }
.Ltmp1:
0xa1: {  	[tilespmem:v29+s13+$0x0] =	vst.idx.add.f32.msk $0xffff, v23;
	(pc) =	sbr.rel @p0 .LBB2_4-.Ltmp1, $4  }
0xa2: {  	[tilespmem:v29+s14+$0x0] =	vst.idx.add.f32.msk $0xffff, v16  }
0xa3: {  	[tilespmem:v29+s15+$0x0] =	vst.idx.add.f32.msk $0xffff, v1  }
0xa4: {  	[tilespmem:v31+s13+$0x0] =	vst.idx.add.f32.msk $0xffff, v30  }
0xa5: {  	s20 =	sadd.s32 $0x100, s20;
	[tilespmem:v31+s14+$0x0] =	vst.idx.add.f32.msk $0xffff, v17  }
0xa6: {  	_ =	sdelay $0x3  }
0xa7: {  	[tilespmem:v10+s15+$0x0] =	vst.idx.add.f32.msk $0xffff, v1  }
0xa8: {  	v10 =	vld [tilespmem:s4+$0x4E00];
	_ =	sdelay $0x5  }
0xa9: {  	v11 =	vld [tilespmem:s4+$0x4E80];
	_ =	sdelay $0x1  }
0xaa: {  	v10 =	vld.idx.msk [tilespmem:v10+s10+$0x0], $0xffff;
	_ =	sdelay $0x4  }
0xab: {  	v12 =	vand.u32 $0xFFFF0000, v10  }
0xac: {  	v10 =	vshll.u32 v10, $0x10;
	[tilespmem:v11+s13+$0x0] =	vst.idx.add.f32.msk $0xffff, v12  }
0xad: {  	[tilespmem:v11+s14+$0x0] =	vst.idx.add.f32.msk $0xffff, v10  }
0xae: {  	[tilespmem:v11+s15+$0x0] =	vst.idx.add.f32.msk $0xffff, v1  }
0xaf: {  	[hbm4b:s6+s16] =	stream.strided.scatter [tilespmem:s13], [sflag:$0x2], $0x2780, s17, s16, $0x38;
	[tilespmem:$0xED00] =	vst v63  }
0xb0: {  	_ = 	snop  }
0xb1: {  	[hbm4b:s7+s16] =	stream.strided.scatter [tilespmem:s14], [sflag:$0x1], $0x2780, s17, s16, $0x38;
	[tilespmem:$0xED00] =	vst v63  }
0xb2: {  	_ = 	snop  }
0xb3: {  	[hbm4b:s8+s16] =	stream.strided.scatter [tilespmem:s15], [sflag:$0x2], $0x2780, s17, s16, $0x38;
	[tilespmem:$0xED00] =	vst v63  }
0xb4: {  	_ =	swait.ge [sflag:s12], $0x2780  }
0xb5: {  	[sflag:s12] =	ssyncset.done $0x0  }
0xb6: {  	s18 =	sadd.s32 $0x1, s18;
	[sflag:s12] =	ssyncadd.s32 $0xFFFFD880  }
0xb7: {  	p0 =	sne.s32 s18, s9;
	_ =	swait.ge [sflag:s11], $0x2780  }
.Ltmp2:
0xb8: {  	[sflag:s11] =	ssyncset.done $0x0;
	(pc) =	sbr.rel @p0 .LBB2_1-.Ltmp2, $4  }
0xb9: {  	[sflag:s11] =	ssyncadd.s32 $0xFFFFD880  }
0xba: {  	_ =	swait.ge [sflag:s12], $0x2780  }
0xbb: {  	[sflag:s12] =	ssyncset.done $0x0  }
0xbc: {  	[sflag:s12] =	ssyncadd.s32 $0xFFFFD880  }
0xbd: {  	_ =	sfence.sel $0x180000  }
0xbe: {  	[bflag:$0x0] =	sbarrier.arrive $0xFFFF  }
0xbf: {  	p0 =	sne.s32 s0, $0x0;
	_ =	strace $0x90000047  }
0xc0: {  	s0 =	sadd.s32 @!p0 $0x100000, s1;
	[bflag:$0x2] =	sbarrier.arrive $0xFFFF  }
0xc1: {  	[sflag:s0] =	ssyncadd.tile.s32 @!p0 $0x1;
	_ =	shalt  }
.Lfunc_end2:
_tile_overlayer_lowered:
.L_overlay_start_2:
0xc2: {  	(tag) =	ssettag $0x2  }
0xc3: {  	s0 =	rddreg [dreg:$0x0];
	s2 =	stileid.u32  }
0xc4: {  	s1 =	rddreg [dreg:$0x1];
	p0 =	sne.s32 s2, $0x0  }
0xc5: {  	s3 =	rddreg [dreg:$0x2];
	[bflag:$0x3] =	sbarrier.arrive $0xFFFF;
	s2 =	simm.s32 @!p0 $0x1C03  }
0xc6: {  	[timem:s3], [sflag:s2] =	dma.local @!p0 [hbm:s0], s1  }
0xc7: {  	s0 =	simm.s32 @!p0 $0x3  }
0xc8: {  	_ =	swait.ge @!p0 [sflag:s0], s1  }
0xc9: {  	s1 =	ssub.s32 @!p0 $0x0, s1;
	[sflag:s0] =	ssyncset.done @!p0 $0x0  }
0xca: {  	[sflag:s0] =	ssyncadd.s32 @!p0 s1  }
0xcb: {  	[bflag:$0x3] =	sbarrier.arrive $0xFFFF  }
0xcc: {  	_ =	shalt  }

</sc_bundles>
